<compile_context>
chip_gen: v7x
topology: tpu7x:2x2x1
jax: 0.10.2.dev20260603
libtpu: 0.0.44.dev20260713+nightly
codegen_flags: <defaults>
</compile_context>

<pallas_src>
import dataclasses

import jax
import jax.numpy as jnp
from jax import lax
from jax.experimental import pallas as pl
from jax.experimental.pallas import tpu as pltpu
from jax.experimental.pallas import tpu_sc as plsc

N = 10000
D = 128
E = 320000
NPAD = 11000
EPAD = 327680
NRH = 5000
SH_TAB = 5120
STR = SH_TAB // 16
JUNK = SH_TAB - 1
JUNK_D = 5119
EPT = EPAD // 16
CHUNK = 128
NCHUNK = EPT // CHUNK
BR = 1000

_mesh = plsc.VectorSubcoreMesh(core_axis_name="c", subcore_axis_name="s")

_sc_params = pltpu.CompilerParams()
if "needs_layout_passes" in pltpu.CompilerParams.__dataclass_fields__:
    _sc_params = dataclasses.replace(_sc_params, needs_layout_passes=False)



DHR = 5120 // D


def _deg_body(dst_hbm, zeros_hbm, iota_hbm, deg_out, dst_all, hist, idxr,
              deg_sh):
    cid = lax.axis_index("c")
    sid = lax.axis_index("s")
    nbase = cid * NRH
    ebase = sid * EPT
    pltpu.sync_copy(dst_hbm.at[pl.ds(ebase, EPT)], dst_all)
    pltpu.sync_copy(zeros_hbm, hist)
    pltpu.sync_copy(iota_hbm, idxr)

    @pl.when(sid == 0)
    def _():
        pltpu.sync_copy(zeros_hbm, deg_sh)

    plsc.subcore_barrier()
    ones16 = jnp.ones((16,), jnp.float32)

    @pl.loop(0, EPT // 16)
    def _(g):
        d16 = dst_all[pl.ds(g * 16, 16)]
        local = d16 - nbase
        ok = (local >= 0) & (local < NRH)
        lcl = jnp.where(ok, local, JUNK_D)
        plsc.addupdate_scatter(hist, [lcl >> 7, lcl & 127], ones16)

    pltpu.sync_copy(hist, deg_sh.at[idxr], add=True)
    plsc.subcore_barrier()

    @pl.when(sid == 0)
    def _():
        pltpu.sync_copy(deg_sh, hist)
        pltpu.sync_copy(hist, deg_out.at[pl.ds(cid * DHR, DHR)])


@jax.jit
def _deg_call(dst, zeros, iota40):
    return pl.kernel(
        _deg_body,
        out_type=jax.ShapeDtypeStruct((2 * DHR, D), jnp.float32),
        mesh=_mesh,
        scratch_types=[
            pltpu.VMEM((EPT,), jnp.int32),
            pltpu.VMEM((DHR, D), jnp.float32),
            pltpu.VMEM((DHR,), jnp.int32),
            pltpu.VMEM_SHARED((DHR, D), jnp.float32),
        ],
        compiler_params=_sc_params,
    )(dst, zeros, iota40)



NBUF = 2
IB = 40
TRASH = EPT + CHUNK


def _edge_body(src_hbm, dst_hbm, hs_hbm, acc_out, src_all, dst_all, dstb,
               rows_v, buf_v, acc_sh, gsem, offr):
    cid = lax.axis_index("c")
    sid = lax.axis_index("s")
    nbase = cid * NRH
    ebase = sid * EPT
    rbase = sid * STR
    pltpu.sync_copy(src_hbm.at[pl.ds(ebase, EPT)], src_all.at[pl.ds(0, EPT)])
    pltpu.sync_copy(dst_hbm.at[pl.ds(ebase, EPT)], dst_all.at[pl.ds(0, EPT)])
    for b in range(STR // IB):
        pltpu.sync_copy(hs_hbm.at[pl.ds(nbase + rbase + b * IB, IB)], buf_v)
        pltpu.sync_copy(buf_v, acc_sh.at[pl.ds(rbase + b * IB, IB)])

    offr[0] = 0

    @pl.loop(0, EPT // 16)
    def _(g):
        off = offr[0]
        s16 = src_all[pl.ds(g * 16, 16)]
        d16 = dst_all[pl.ds(g * 16, 16)]
        local = d16 - nbase
        ok = (local >= 0) & (local < NRH)
        oki = ok.astype(jnp.int32)
        pos = off + plsc.cumsum(oki) - oki
        tgt = jnp.where(ok, pos, TRASH)
        plsc.store_scatter(src_all, [tgt], s16)
        plsc.store_scatter(dst_all, [tgt], local)
        offr[0] = off + jnp.sum(oki)

    cnt = offr[0]
    lane = lax.iota(jnp.int32, 16)
    for k in range(CHUNK // 16):
        plsc.store_scatter(src_all, [cnt + k * 16 + lane],
                           jnp.zeros((16,), jnp.int32))
        plsc.store_scatter(dst_all, [cnt + k * 16 + lane],
                           jnp.full((16,), JUNK, jnp.int32))
    nch = (cnt + CHUNK - 1) // CHUNK
    plsc.subcore_barrier()

    def _gather(c, buf):
        pltpu.async_copy(hs_hbm.at[src_all.at[pl.ds(c * CHUNK, CHUNK)]],
                         rows_v.at[buf], gsem)

    for p in range(NBUF):
        @pl.when(p < nch)
        def _():
            _gather(p, p)

    @pl.loop(0, NCHUNK, step=NBUF)
    def _(c):
        for b in range(NBUF):
            @pl.when(c + b < nch)
            def _():
                for k in range(CHUNK // 16):
                    dstb[pl.ds(k * 16, 16)] = (
                        dst_all[pl.ds((c + b) * CHUNK + k * 16, 16)])
                pltpu.make_async_copy(hs_hbm.at[pl.ds(0, CHUNK)],
                                      rows_v.at[b], gsem).wait()
                pltpu.sync_copy(rows_v.at[b], acc_sh.at[dstb], add=True)

                @pl.when(c + b + NBUF < nch)
                def _():
                    _gather(c + b + NBUF, b)

    plsc.subcore_barrier()
    @pl.when(sid < 15)
    def _():
        for b in range(STR // IB):
            pltpu.sync_copy(acc_sh.at[pl.ds(rbase + b * IB, IB)], buf_v)
            pltpu.sync_copy(
                buf_v, acc_out.at[pl.ds(cid * NRH + rbase + b * IB, IB)])

    @pl.when(sid == 15)
    def _():
        for b in range((NRH - 15 * STR) // IB):
            pltpu.sync_copy(acc_sh.at[pl.ds(rbase + b * IB, IB)], buf_v)
            pltpu.sync_copy(
                buf_v, acc_out.at[pl.ds(cid * NRH + rbase + b * IB, IB)])


@jax.jit
def _edge_call(src, dst, hs):
    return pl.kernel(
        _edge_body,
        out_type=jax.ShapeDtypeStruct((NPAD, D), jnp.float32),
        mesh=_mesh,
        scratch_types=[
            pltpu.VMEM((EPT + CHUNK + 16,), jnp.int32),
            pltpu.VMEM((EPT + CHUNK + 16,), jnp.int32),
            pltpu.VMEM((CHUNK,), jnp.int32),
            pltpu.VMEM((NBUF, CHUNK, D), jnp.float32),
            pltpu.VMEM((IB, D), jnp.float32),
            pltpu.VMEM_SHARED((SH_TAB, D), jnp.float32),
            pltpu.SemaphoreType.DMA,
            pltpu.SMEM((1,), jnp.int32),
        ],
        compiler_params=_sc_params,
    )(src, dst, hs)



def _mm1_body(x_ref, w_ref, deg_ref, hs_ref):
    dinv = lax.rsqrt(deg_ref[...] + 1.0)
    hs_ref[...] = jnp.dot(x_ref[...], w_ref[...],
                          preferred_element_type=jnp.float32,
                          precision=lax.Precision.HIGHEST) * dinv


def _mid_body(acc_ref, deg_ref, b1_ref, w2_ref, hs2_ref):
    dinv = lax.rsqrt(deg_ref[...] + 1.0)
    h1 = jnp.maximum(acc_ref[...] * dinv + b1_ref[...], 0.0)
    hs2_ref[...] = jnp.dot(h1, w2_ref[...],
                           preferred_element_type=jnp.float32,
                           precision=lax.Precision.HIGHEST) * dinv


def _fin_body(acc_ref, deg_ref, b2_ref, out_ref):
    dinv = lax.rsqrt(deg_ref[...] + 1.0)
    out_ref[...] = acc_ref[...] * dinv + b2_ref[...]


_row_spec = pl.BlockSpec((BR, D), lambda i: (i, 0))
_col_spec = pl.BlockSpec((BR, 1), lambda i: (i, 0))
_w_spec = pl.BlockSpec((D, D), lambda i: (0, 0))
_b_spec = pl.BlockSpec((1, D), lambda i: (0, 0))
_acc_spec = _row_spec
_row_out = jax.ShapeDtypeStruct((NPAD, D), jnp.float32)

_mm1_call = pl.pallas_call(
    _mm1_body, grid=(NPAD // BR,),
    in_specs=[_row_spec, _w_spec, _col_spec],
    out_specs=_row_spec, out_shape=_row_out)

_mid_call = pl.pallas_call(
    _mid_body, grid=(NPAD // BR,),
    in_specs=[_acc_spec, _col_spec, _b_spec, _w_spec],
    out_specs=_row_spec, out_shape=_row_out)

_fin_call = pl.pallas_call(
    _fin_body, grid=(N // BR,),
    in_specs=[_acc_spec, _col_spec, _b_spec],
    out_specs=_row_spec, out_shape=jax.ShapeDtypeStruct((N, D), jnp.float32))



def kernel(x, edge_index, W1, b1, W2, b2):
    src = edge_index[0].astype(jnp.int32)
    dst = edge_index[1].astype(jnp.int32)
    src_p = jnp.concatenate([src, jnp.zeros((EPAD - E,), jnp.int32)])
    dst_p = jnp.concatenate([dst, jnp.full((EPAD - E,), N, jnp.int32)])
    x_p = jnp.concatenate([x, jnp.zeros((NPAD - N, D), x.dtype)])
    zeros = jnp.zeros((DHR, D), jnp.float32)

    iota40 = jnp.arange(DHR, dtype=jnp.int32)
    deg2 = _deg_call(dst_p, zeros, iota40)
    deg_col = deg2.reshape(2, DHR * D)[:, :NRH].reshape(N)
    deg = jnp.concatenate([deg_col, jnp.zeros((NPAD - N,),
                                              jnp.float32)])[:, None]
    hs1 = _mm1_call(x_p, W1, deg)
    acc1 = _edge_call(src_p, dst_p, hs1)
    hs2 = _mid_call(acc1, deg, b1.reshape(1, D), W2)
    acc2 = _edge_call(src_p, dst_p, hs2)
    return _fin_call(acc2, deg, b2.reshape(1, D))

# --- scband reference (transcript-rebuilt; emitter-appended) ---
"""Pipeline reference for scband-gcnencoder-14207751815312 (READ-ONLY COPY).

The authoritative reference and input builder live on the scoring server;
editing this copy changes nothing except your own understanding.
"""

import jax, jax.numpy as jnp
import numpy as np

N_NODES = 10000
N_EDGES = 320000
D0, D1, D2 = 128, 128, 128


def setup_inputs(seed: int = 0) -> dict:
    key = jax.random.key(seed)
    k1, k2, k3, k4, k5, k6 = jax.random.split(key, 6)
    x = jax.random.normal(k1, (N_NODES, D0), dtype=jnp.float32)
    edge_index = jax.random.randint(k2, (2, N_EDGES), 0, N_NODES, dtype=jnp.int64)
    W1 = jax.random.normal(k3, (D0, D1), dtype=jnp.float32) * (1.0 / np.sqrt(D0))
    b1 = jnp.zeros((D1,), dtype=jnp.float32)
    W2 = jax.random.normal(k4, (D1, D2), dtype=jnp.float32) * (1.0 / np.sqrt(D1))
    b2 = jnp.zeros((D2,), dtype=jnp.float32)
    return {"x": x, "edge_index": edge_index, "W1": W1, "b1": b1, "W2": W2, "b2": b2}


def gcn_conv(x, src, dst, W, b):
    # GCNConv with self-loops and symmetric degree normalization:
    # out = D^{-1/2} (A + I) D^{-1/2} (X W) + b
    N = x.shape[0]
    loop = jnp.arange(N, dtype=src.dtype)
    s = jnp.concatenate([src, loop])
    d = jnp.concatenate([dst, loop])
    deg = jnp.zeros((N,), dtype=x.dtype).at[d].add(1.0)
    dinv = jnp.where(deg > 0, 1.0 / jnp.sqrt(deg), 0.0)
    norm = dinv[s] * dinv[d]
    h = x @ W
    msg = h[s] * norm[:, None]
    out = jnp.zeros_like(h).at[d].add(msg)
    return out + b


def reference(x, edge_index, W1, b1, W2, b2):
    src, dst = edge_index[0], edge_index[1]
    h = gcn_conv(x, src, dst, W1, b1)
    h = jax.nn.relu(h)
    out = gcn_conv(h, src, dst, W2, b2)
    return out

if __name__ == "__main__":
    import jax
    _d = setup_inputs()
    print(jax.jit(kernel)(*tuple(_d.values())))

</pallas_src>

<mosaic_0001>
#map = affine_map<(d0, d1) -> (0)>
#map1 = affine_map<(d0, d1) -> (0, 0)>
module attributes {stable_mosaic.version = 14 : i64} {
  func.func @_deg_body(%arg0: i32, %arg1: i32, %arg2: memref<327680xi32, #tpu.memory_space<hbm>>, %arg3: memref<40x128xf32, #tpu.memory_space<hbm>>, %arg4: memref<40xi32, #tpu.memory_space<hbm>>, %arg5: memref<80x128xf32, #tpu.memory_space<hbm>>, %arg6: memref<20480xi32, #tpu.memory_space<vmem>>, %arg7: memref<40x128xf32, #tpu.memory_space<vmem>>, %arg8: memref<40xi32, #tpu.memory_space<vmem>>, %arg9: memref<40x128xf32, #tpu.memory_space<vmem_shared>>) attributes {dimension_semantics = [#tpu.dimension_semantics<core_parallel>, #tpu.dimension_semantics<subcore_parallel>], iteration_bounds = array<i64: 2, 16>, scalar_prefetch = 0 : i64, scratch_operands = 4 : i64, tpu.core_type = #tpu.core_type<sc_vector_subcore>, window_params = [{transform_indices = #map}, {transform_indices = #map1}, {transform_indices = #map}, {transform_indices = #map1}]} {
    %mul3A = arith.constant 5000 : i32
    %mul3A_0 = arith.muli %arg0, %mul3A : i32
    %mul3A_1 = arith.constant 20480 : i32
    %mul3A_2 = arith.muli %arg1, %mul3A_1 : i32
    "tpu.region"() ({
      %run_scoped3A = tpu.sem_alloc : memref<!tpu.dma_semaphore, #tpu.memory_space<semaphore_mem>>
      %dma_start3A = tpu.memref_slice %arg2[%mul3A_2] : memref<327680xi32, #tpu.memory_space<hbm>> -> memref<20480xi32, #tpu.memory_space<hbm>>
      %dma_start3A_16 = tpu.memref_slice %arg2[%mul3A_2] : memref<327680xi32, #tpu.memory_space<hbm>> -> memref<20480xi32, #tpu.memory_space<hbm>>
      tpu.enqueue_dma source(%dma_start3A_16 : memref<20480xi32, #tpu.memory_space<hbm>>) target(%arg6 : memref<20480xi32, #tpu.memory_space<vmem>>) target_semaphore(%run_scoped3A : memref<!tpu.dma_semaphore, #tpu.memory_space<semaphore_mem>>)
      %dma_wait3A = tpu.memref_slice %arg2[%mul3A_2] : memref<327680xi32, #tpu.memory_space<hbm>> -> memref<20480xi32, #tpu.memory_space<hbm>>
      %dma_wait3A_17 = tpu.memref_slice %arg2[%mul3A_2] : memref<327680xi32, #tpu.memory_space<hbm>> -> memref<20480xi32, #tpu.memory_space<hbm>>
      tpu.wait_dma2 semaphore(%run_scoped3A : memref<!tpu.dma_semaphore, #tpu.memory_space<semaphore_mem>>) src(%dma_wait3A_17 : memref<20480xi32, #tpu.memory_space<hbm>>) dst(%arg6 : memref<20480xi32, #tpu.memory_space<vmem>>)
      tpu.yield
    }) : () -> ()
    "tpu.region"() ({
      %run_scoped3A = tpu.sem_alloc : memref<!tpu.dma_semaphore, #tpu.memory_space<semaphore_mem>>
      tpu.enqueue_dma source(%arg3 : memref<40x128xf32, #tpu.memory_space<hbm>>) target(%arg7 : memref<40x128xf32, #tpu.memory_space<vmem>>) target_semaphore(%run_scoped3A : memref<!tpu.dma_semaphore, #tpu.memory_space<semaphore_mem>>)
      tpu.wait_dma2 semaphore(%run_scoped3A : memref<!tpu.dma_semaphore, #tpu.memory_space<semaphore_mem>>) src(%arg3 : memref<40x128xf32, #tpu.memory_space<hbm>>) dst(%arg7 : memref<40x128xf32, #tpu.memory_space<vmem>>)
      tpu.yield
    }) : () -> ()
    "tpu.region"() ({
      %run_scoped3A = tpu.sem_alloc : memref<!tpu.dma_semaphore, #tpu.memory_space<semaphore_mem>>
      tpu.enqueue_dma source(%arg4 : memref<40xi32, #tpu.memory_space<hbm>>) target(%arg8 : memref<40xi32, #tpu.memory_space<vmem>>) target_semaphore(%run_scoped3A : memref<!tpu.dma_semaphore, #tpu.memory_space<semaphore_mem>>)
      tpu.wait_dma2 semaphore(%run_scoped3A : memref<!tpu.dma_semaphore, #tpu.memory_space<semaphore_mem>>) src(%arg4 : memref<40xi32, #tpu.memory_space<hbm>>) dst(%arg8 : memref<40xi32, #tpu.memory_space<vmem>>)
      tpu.yield
    }) : () -> ()
    %eq3A = arith.constant 0 : i32
    %eq3A_3 = arith.cmpi eq, %arg1, %eq3A : i32
    %convert_element_type3A = arith.extui %eq3A_3 : i1 to i32
    %cond3A = arith.constant 0 : i32
    %cond3A_4 = arith.cmpi ne, %convert_element_type3A, %cond3A : i32
    scf.if %cond3A_4 {
      "tpu.region"() ({
        %run_scoped3A = tpu.sem_alloc : memref<!tpu.dma_semaphore, #tpu.memory_space<semaphore_mem>>
        tpu.enqueue_dma source(%arg3 : memref<40x128xf32, #tpu.memory_space<hbm>>) target(%arg9 : memref<40x128xf32, #tpu.memory_space<vmem_shared>>) target_semaphore(%run_scoped3A : memref<!tpu.dma_semaphore, #tpu.memory_space<semaphore_mem>>)
        tpu.wait_dma2 semaphore(%run_scoped3A : memref<!tpu.dma_semaphore, #tpu.memory_space<semaphore_mem>>) src(%arg3 : memref<40x128xf32, #tpu.memory_space<hbm>>) dst(%arg9 : memref<40x128xf32, #tpu.memory_space<vmem_shared>>)
        tpu.yield
      }) : () -> ()
    } else {
    }
    %barrier3A = arith.constant 0 : index
    tpu.barrier barrier_id(%barrier3A)
    %broadcast_in_dim3A = arith.constant 1.000000e+00 : f32
    %broadcast_in_dim3A_5 = vector.broadcast %broadcast_in_dim3A : f32 to vector<16xf32>
    %scan3A = arith.constant 0 : i32
    %scan3A_6 = arith.constant 1280 : i32
    %scan3A_7 = arith.addi %scan3A, %scan3A_6 : i32
    %scan3A_8 = arith.constant 1 : i32
    scf.for %scan3A_16 = %scan3A to %scan3A_7 step %scan3A_8  : i32 {
      %mul3A_17 = arith.constant 1 : i32
      %mul3A_18 = arith.muli %scan3A_16, %mul3A_17 : i32
      %add3A = arith.constant 0 : i32
      %add3A_19 = arith.addi %add3A, %mul3A_18 : i32
      %mul3A_20 = arith.constant 16 : i32
      %mul3A_21 = arith.muli %add3A_19, %mul3A_20 : i32
      %get3A = arith.index_cast %mul3A_21 : i32 to index
      %get3A_22 = tpu.vector_load %arg6[%get3A] {strides = array<i32>} : memref<20480xi32, #tpu.memory_space<vmem>>, vector<16xi32>,
      %sub3A = vector.broadcast %mul3A_0 : i32 to vector<16xi32>
      %sub3A_23 = arith.subi %get3A_22, %sub3A : vector<16xi32>
      %ge3A = arith.constant 0 : i32
      %ge3A_24 = vector.broadcast %ge3A : i32 to vector<16xi32>
      %ge3A_25 = arith.cmpi sge, %sub3A_23, %ge3A_24 : vector<16xi32>
      %lt3A = arith.constant 5000 : i32
      %lt3A_26 = vector.broadcast %lt3A : i32 to vector<16xi32>
      %lt3A_27 = arith.cmpi slt, %sub3A_23, %lt3A_26 : vector<16xi32>
      %and3A = arith.andi %ge3A_25, %lt3A_27 : vector<16xi1>
      %jit3A = arith.constant 5119 : i32
      %broadcast_in_dim3A_28 = vector.broadcast %jit3A : i32 to vector<16xi32>
      %select_n3A = arith.select %and3A, %sub3A_23, %broadcast_in_dim3A_28 : vector<16xi1>, vector<16xi32>
      %shift_right_arithmetic3A = arith.constant 7 : i32
      %shift_right_arithmetic3A_29 = vector.broadcast %shift_right_arithmetic3A : i32 to vector<16xi32>
      %shift_right_arithmetic3A_30 = arith.shrsi %select_n3A, %shift_right_arithmetic3A_29 : vector<16xi32>
      %and3A_31 = arith.constant 127 : i32
      %and3A_32 = vector.broadcast %and3A_31 : i32 to vector<16xi32>
      %and3A_33 = arith.andi %select_n3A, %and3A_32 : vector<16xi32>
      tpu.vector_store_idx %arg7[%shift_right_arithmetic3A_30, %and3A_33], %broadcast_in_dim3A_5 {add = true} : memref<40x128xf32, #tpu.memory_space<vmem>>[vector<16xi32>, vector<16xi32>], vector<16xf32>,
    }
    %scan3A_9 = arith.constant 1280 : i32
    "tpu.region"() ({
      %run_scoped3A = tpu.sem_alloc : memref<!tpu.dma_semaphore, #tpu.memory_space<semaphore_mem>>
      %dma_start3A = arith.constant 0 : i32
      %dma_start3A_16 = arith.constant 0 : i32
      %dma_start3A_17 = tpu.memref_slice %arg9[%dma_start3A, %dma_start3A_16] : memref<40x128xf32, #tpu.memory_space<vmem_shared>> -> memref<40x128xf32, #tpu.memory_space<vmem_shared>>
      tpu.enqueue_indirect_dma source(%arg7 : memref<40x128xf32, #tpu.memory_space<vmem>>) target(%dma_start3A_17 : memref<40x128xf32, #tpu.memory_space<vmem_shared>>) offsets(%arg8 : memref<40xi32, #tpu.memory_space<vmem>>) semaphore(%run_scoped3A : memref<!tpu.dma_semaphore, #tpu.memory_space<semaphore_mem>>) {add = true}
      %dma_wait3A = arith.constant 0 : i32
      %dma_wait3A_18 = arith.constant 0 : i32
      %dma_wait3A_19 = tpu.memref_slice %arg9[%dma_wait3A, %dma_wait3A_18] : memref<40x128xf32, #tpu.memory_space<vmem_shared>> -> memref<40x128xf32, #tpu.memory_space<vmem_shared>>
      tpu.wait_indirect_dma semaphore(%run_scoped3A : memref<!tpu.dma_semaphore, #tpu.memory_space<semaphore_mem>>) src(%arg7 : memref<40x128xf32, #tpu.memory_space<vmem>>) dst(%dma_wait3A_19 : memref<40x128xf32, #tpu.memory_space<vmem_shared>>)
      tpu.yield
    }) : () -> ()
    %barrier3A_10 = arith.constant 0 : index
    tpu.barrier barrier_id(%barrier3A_10)
    %eq3A_11 = arith.constant 0 : i32
    %eq3A_12 = arith.cmpi eq, %arg1, %eq3A_11 : i32
    %convert_element_type3A_13 = arith.extui %eq3A_12 : i1 to i32
    %cond3A_14 = arith.constant 0 : i32
    %cond3A_15 = arith.cmpi ne, %convert_element_type3A_13, %cond3A_14 : i32
    scf.if %cond3A_15 {
      "tpu.region"() ({
        %run_scoped3A = tpu.sem_alloc : memref<!tpu.dma_semaphore, #tpu.memory_space<semaphore_mem>>
        tpu.enqueue_dma source(%arg9 : memref<40x128xf32, #tpu.memory_space<vmem_shared>>) target(%arg7 : memref<40x128xf32, #tpu.memory_space<vmem>>) target_semaphore(%run_scoped3A : memref<!tpu.dma_semaphore, #tpu.memory_space<semaphore_mem>>)
        tpu.wait_dma2 semaphore(%run_scoped3A : memref<!tpu.dma_semaphore, #tpu.memory_space<semaphore_mem>>) src(%arg9 : memref<40x128xf32, #tpu.memory_space<vmem_shared>>) dst(%arg7 : memref<40x128xf32, #tpu.memory_space<vmem>>)
        tpu.yield
      }) : () -> ()
      %mul3A_16 = arith.constant 40 : i32
      %mul3A_17 = arith.muli %arg0, %mul3A_16 : i32
      "tpu.region"() ({
        %run_scoped3A = tpu.sem_alloc : memref<!tpu.dma_semaphore, #tpu.memory_space<semaphore_mem>>
        %dma_start3A = arith.constant 0 : i32
        %dma_start3A_18 = tpu.memref_slice %arg5[%mul3A_17, %dma_start3A] : memref<80x128xf32, #tpu.memory_space<hbm>> -> memref<40x128xf32, #tpu.memory_space<hbm>>
        %dma_start3A_19 = arith.constant 0 : i32
        %dma_start3A_20 = tpu.memref_slice %arg5[%mul3A_17, %dma_start3A_19] : memref<80x128xf32, #tpu.memory_space<hbm>> -> memref<40x128xf32, #tpu.memory_space<hbm>>
        tpu.enqueue_dma source(%arg7 : memref<40x128xf32, #tpu.memory_space<vmem>>) target(%dma_start3A_20 : memref<40x128xf32, #tpu.memory_space<hbm>>) target_semaphore(%run_scoped3A : memref<!tpu.dma_semaphore, #tpu.memory_space<semaphore_mem>>)
        %dma_wait3A = arith.constant 0 : i32
        %dma_wait3A_21 = tpu.memref_slice %arg5[%mul3A_17, %dma_wait3A] : memref<80x128xf32, #tpu.memory_space<hbm>> -> memref<40x128xf32, #tpu.memory_space<hbm>>
        %dma_wait3A_22 = arith.constant 0 : i32
        %dma_wait3A_23 = tpu.memref_slice %arg5[%mul3A_17, %dma_wait3A_22] : memref<80x128xf32, #tpu.memory_space<hbm>> -> memref<40x128xf32, #tpu.memory_space<hbm>>
        tpu.wait_dma2 semaphore(%run_scoped3A : memref<!tpu.dma_semaphore, #tpu.memory_space<semaphore_mem>>) src(%arg7 : memref<40x128xf32, #tpu.memory_space<vmem>>) dst(%dma_wait3A_23 : memref<40x128xf32, #tpu.memory_space<hbm>>)
        tpu.yield
      }) : () -> ()
    } else {
    }
    return
  }
}

</mosaic_0001>

<sc_bundles>
// kernel: _deg_call.3.cloned.1.call-start
scs
__scs_entry_jumppad:
0x0: {  	(pc) =	sbr.rel $0x88, $3  }
0x1: {  	(tag) =	ssettag $0x0;
	lr =	simm.s32 $0x1  }
0x2: {  	[smem:$0x3F9E] =	sst lr;
	_ =	strace $0xD0000000  }
0x3: {  	_ = 	snop  }
0x4: {  	_ = 	snop  }
0x5: {  	_ = 	snop  }
0x6: {  	_ = 	snop  }
0x7: {  	_ = 	snop  }
__scs_overlays_trampoline_lowered:
0x8: {  	[smem:$0x3FAD] =	sst s0  }
0x9: {  	[smem:$0x3FAE] =	sst s1  }
0xa: {  	[smem:$0x3FAF] =	sst s2  }
0xb: {  	[smem:$0x3FB0] =	sst s3  }
0xc: {  	[smem:$0x3FB1] =	sst s4  }
0xd: {  	[smem:$0x3FB2] =	sst s5  }
0xe: {  	[smem:$0x3FB3] =	sst s6  }
0xf: {  	[smem:$0x3FB4] =	sst s7  }
0x10: {  	[smem:$0x3FB5] =	sst s8  }
0x11: {  	[smem:$0x3FB6] =	sst s9;
	s0 =	simm.s32 @!p0 $0x0  }
0x12: {  	s1 =	sld [smem:$0x3F9C];
	s0 =	simm.s32 @p0 $0x1  }
0x13: {  	[smem:$0x3FB7] =	sst s0;
	s0 =	simm.s32 @!p1 $0x0  }
0x14: {  	s2 =	sld [smem:$0x3F9B];
	s0 =	simm.s32 @p1 $0x1  }
0x15: {  	[smem:$0x3FB8] =	sst s0;
	s0 =	simm.s32 @!p2 $0x0  }
0x16: {  	s3 =	sld [smem:$0x3FDB];
	s0 =	simm.s32 @p2 $0x1  }
0x17: {  	s4 =	simm.s32 $0x1BF5;
	[smem:$0x3FBA] =	sst s0  }
0x18: {  	s0 =	sld [smem:$0x3F9D];
	_ =	swait.ge [sflag:s4], $0x0  }
0x19: {  	s7 =	sld [smem:$0x3F9E]  }
0x1a: {  	s8 =	sadd.s32 $0xFFFFE003, lr  }
0x1b: {  	s9 =	sadd.s32 $0xFFFFFEF7, lr;
	s5 =	simm.s32 $0xFFFFFFFF;
	p2 =	slt.u32 s8, $0xFFFFF086  }
0x1c: {  	p1 =	slt.u32 s9, $0xF7A;
	s5 =	simm.s32 @!p2 $0x0  }
0x1d: {  	s5 =	simm.s32 @p1 $0x1;
	p0 =	seq.s32 s7, s2  }
0x1e: {  	s7 =	smul.u32 @!p0 $0xF7A, s2;
	p2 =	seq.s32 @!p0 s5, $0x0  }
0x1f: {  	s9 =	smul.u32 $0xF7A, s1;
	s8 =	simm.s32 @!p0 $0x1BF5;
	p2 =	por !p2, p0  }
0x20: {  	[sflag:s8] =	ssyncset.s32 @!p0 $0xFFFFF086;
	s6 =	sadd.s32 @!p0 s3, s7;
	s7 =	simm.s32 @!p0 $0x108  }
0x21: {  	s3 =	sadd.s32 s3, s9;
	s6 =	sadd.s32 @!p0 $0x88, s6;
	s7 =	simm.s32 @p2 $0x1082  }
0x22: {  	[simem:s7], [sflag:s8] =	dma.local @!p0 [hbm:s6], $0xF7A  }
0x23: {  	s9 =	sor.u32 $0xD0000000, s2;
	s6 =	simm.s32 $0x108;
	_ =	swait.ge @!p0 [sflag:s8], $0x0  }
0x24: {  	s3 =	sadd.s32 $0x88, s3;
	s6 =	simm.s32 @!p1 $0x1082;
	[sflag:s4] =	ssyncset.s32 $0xFFFFF086  }
0x25: {  	[simem:s6], [sflag:s4] =	dma.local [hbm:s3], $0xF7A  }
0x26: {  	[smem:$0x3F9E] =	sst s1;
	(tag) =	ssettag s2;
	_ =	strace s9  }
0x27: {  	s1 =	sld [smem:$0x3FAE]  }
0x28: {  	s2 =	sld [smem:$0x3FAF]  }
0x29: {  	s4 =	sld [smem:$0x3FB1]  }
0x2a: {  	p0 =	seq.s32 s5, $0x0;
	s5 =	sld [smem:$0x3FB2]  }
0x2b: {  	s6 =	sld [smem:$0x3FB3]  }
0x2c: {  	s7 =	sld [smem:$0x3FB4]  }
0x2d: {  	s3 =	simm.s32 $0x108;
	s8 =	sld [smem:$0x3FB5]  }
0x2e: {  	s3 =	simm.s32 @!p0 $0x1082;
	s9 =	sld [smem:$0x3FB6]  }
0x2f: {  	lr =	sadd.s32 s0, s3;
	s0 =	sld [smem:$0x3FAD]  }
0x30: {  	s3 =	sld [smem:$0x3FB0]  }
0x31: {  	[smem:$0x3FB9] =	sst s10  }
0x32: {  	s10 =	sld [smem:$0x3FB7];
	_ =	sdelay $0x3  }
0x33: {  	p0 =	seq.s32 s10, $0x1;
	s10 =	sld [smem:$0x3FB9];
	_ =	sdelay $0x3  }
0x34: {  	[smem:$0x3FB9] =	sst s10  }
0x35: {  	s10 =	sld [smem:$0x3FB8];
	_ =	sdelay $0x3  }
0x36: {  	p1 =	seq.s32 s10, $0x1;
	s10 =	sld [smem:$0x3FB9];
	_ =	sdelay $0x3  }
0x37: {  	[smem:$0x3FB9] =	sst s10  }
0x38: {  	s10 =	sld [smem:$0x3FBA]  }
0x39: {  	_ = 	snop;
	(pc) =	sbr.ind lr, $3  }
0x3a: {  	_ = 	snop  }
0x3b: {  	_ = 	snop  }
0x3c: {  	p2 =	seq.s32 s10, $0x1;
	s10 =	sld [smem:$0x3FB9]  }
0x3d: {  	_ =	shalt  }
0x3e: {  	_ =	shalt  }
0x3f: {  	_ =	shalt  }
0x40: {  	_ =	shalt  }
0x41: {  	_ =	shalt  }
0x42: {  	_ =	shalt  }
0x43: {  	_ =	shalt  }
0x44: {  	_ =	shalt  }
0x45: {  	_ =	shalt  }
0x46: {  	_ =	shalt  }
0x47: {  	_ =	shalt  }
0x48: {  	_ =	shalt  }
0x49: {  	_ =	shalt  }
0x4a: {  	_ =	shalt  }
0x4b: {  	_ =	shalt  }
0x4c: {  	_ =	shalt  }
0x4d: {  	_ =	shalt  }
0x4e: {  	_ =	shalt  }
0x4f: {  	_ =	shalt  }
0x50: {  	_ =	shalt  }
0x51: {  	_ =	shalt  }
0x52: {  	_ =	shalt  }
0x53: {  	_ =	shalt  }
0x54: {  	_ =	shalt  }
0x55: {  	_ =	shalt  }
0x56: {  	_ =	shalt  }
0x57: {  	_ =	shalt  }
0x58: {  	_ =	shalt  }
0x59: {  	_ =	shalt  }
0x5a: {  	_ =	shalt  }
0x5b: {  	_ =	shalt  }
0x5c: {  	_ =	shalt  }
0x5d: {  	_ =	shalt  }
0x5e: {  	_ =	shalt  }
0x5f: {  	_ =	shalt  }
0x60: {  	_ =	shalt  }
0x61: {  	_ =	shalt  }
0x62: {  	_ =	shalt  }
0x63: {  	_ =	shalt  }
0x64: {  	_ =	shalt  }
0x65: {  	_ =	shalt  }
0x66: {  	_ =	shalt  }
0x67: {  	_ =	shalt  }
0x68: {  	_ =	shalt  }
0x69: {  	_ =	shalt  }
0x6a: {  	_ =	shalt  }
0x6b: {  	_ =	shalt  }
0x6c: {  	_ =	shalt  }
0x6d: {  	_ =	shalt  }
0x6e: {  	_ =	shalt  }
0x6f: {  	_ =	shalt  }
0x70: {  	_ =	shalt  }
0x71: {  	_ =	shalt  }
0x72: {  	_ =	shalt  }
0x73: {  	_ =	shalt  }
0x74: {  	_ =	shalt  }
0x75: {  	_ =	shalt  }
0x76: {  	_ =	shalt  }
0x77: {  	_ =	shalt  }
0x78: {  	_ =	shalt  }
0x79: {  	_ =	shalt  }
0x7a: {  	_ =	shalt  }
0x7b: {  	_ =	shalt  }
0x7c: {  	_ =	shalt  }
0x7d: {  	_ =	shalt  }
0x7e: {  	_ =	shalt  }
0x7f: {  	_ =	shalt  }
0x80: {  	_ =	shalt  }
0x81: {  	_ =	shalt  }
0x82: {  	_ =	shalt  }
0x83: {  	_ =	shalt  }
0x84: {  	_ =	shalt  }
0x85: {  	_ =	shalt  }
0x86: {  	_ =	shalt  }
0x87: {  	_ =	shalt  }
.Lfunc_end0:
.L_simem_size_0:
called_computation_lowered:
.L_overlay_start_0:
0x88: {  	s2 =	sld [smem:$0x3FD9]  }
0x89: {  	s3 =	sld [smem:$0x3FFE];
	_ =	sdelay $0x1  }
0x8a: {  	s1 =	srdreg.scid  }
0x8b: {  	s0 =	sand.u32 $0x1, s1  }
0x8c: {  	s18 =	sshll.u32 s0, $0xA;
	s2 =	sadd.s32 s3, s2  }
0x8d: {  	s2 =	sadd.s32 s2, s18  }
0x8e: {  	[smem:$0x3FC5] =	sst s2  }
0x8f: {  	_ = 	snop  }
0x90: {  	s2 =	sld [smem:$0x3FC9]  }
0x91: {  	s19 =	sld [smem:$0x3FC8]  }
0x92: {  	s4 =	sld [smem:$0x3FC7]  }
0x93: {  	s5 =	sld [smem:$0x3FD0];
	(tm) =	ssettm $0x1  }
0x94: {  	s6 =	sld [smem:$0x3FFB];
	_ =	sdelay $0x3  }
0x95: {  	_ =	strace s6  }
0x96: {  	s6 =	sld [smem:$0x3FFC];
	_ =	sdelay $0x3  }
0x97: {  	_ =	strace s6  }
0x98: {  	s6 =	sld [smem:$0x3FFD];
	_ =	sdelay $0x3  }
0x99: {  	_ =	strace s6  }
0x9a: {  	_ =	strace $0x8FFFFFFF  }
0x9b: {  	s20 =	sld [smem:$0x3FDB];
	_ =	sdelay $0x1  }
0x9c: {  	s7 =	simm.s32 $_scs_section_size  }
0x9d: {  	s8 =	simm.s32 $_size__tile_overlayer_lowered;
	s9 =	simm.s32 $_tile_overlayer_lowered  }
0x9e: {  	s23 =	simm.s32 $0x1BFF;
	s22 =	sshll.u32 s9, $0x1;
	s6 =	sadd.s32 s7, s20  }
0x9f: {  	s10 =	simm.s32 $0x0;
	s21 =	sshll.u32 s8, $0x1;
	s8 =	sadd.s32 s22, s6  }
0xa0: {  	[timem:s10], [sflag:s23] =	dma.local [hbm:s8], s21  }
0xa1: {  	_ =	swait.ge [sflag:s23], s21  }
0xa2: {  	s7 =	ssub.s32 $0x0, s21;
	[sflag:s23] =	ssyncset.done $0x0  }
0xa3: {  	[sflag:s23] =	ssyncadd.s32 s7;
	_ =	sdelay $0x1  }
0xa4: {  	s24 =	simm.s32 $0x1B8B  }
0xa5: {  	_ =	swait.ge [sflag:s24], $0x1  }
0xa6: {  	[sflag:s24] =	ssyncset.done $0x0  }
0xa7: {  	s25 =	simm.s32 $0x1B8E;
	[sflag:s24] =	ssyncadd.s32 $0xFFFFFFFF  }
0xa8: {  	s26 =	simm.s32 $execute0_lowered;
	[smem:$0x3FD2] =	sst s25  }
0xa9: {  	s7 =	sshll.u32 s26, $0x1;
	_ =	strace $0x80000046;
	[dreg:$0x1] =	wrdreg $0xFFFFFFFF  }
0xaa: {  	s28 =	simm.s32 $_size_execute0_lowered;
	s6 =	sadd.s32 s6, s7;
	[dreg:$0x0] =	wrdreg $0x0  }
0xab: {  	s7 =	sshll.u32 s28, $0x1;
	[dreg:$0x2] =	wrdreg s6  }
0xac: {  	[dreg:$0x3] =	wrdreg s7  }
0xad: {  	[dreg:$0x4] =	wrdreg $0xC0  }
0xae: {  	_ =	task [dreg:s10], $0x5FFFF  }
0xaf: {  	[dreg:$0x1] =	wrdreg $0xFFFFFFFF  }
0xb0: {  	[dreg:$0x0] =	wrdreg $0x60  }
0xb1: {  	[dreg:$0x2] =	wrdreg s2  }
0xb2: {  	[dreg:$0x3] =	wrdreg s19  }
0xb3: {  	[dreg:$0x4] =	wrdreg s4  }
0xb4: {  	[dreg:$0x5] =	wrdreg s5  }
0xb5: {  	[dreg:$0x6] =	wrdreg $0x64800  }
0xb6: {  	[dreg:$0x7] =	wrdreg $0x9  }
0xb7: {  	_ =	task.clear_ibuf [dreg:s10], $0x8FFFF;
	_ =	strace $0x90000046  }
0xb8: {  	s29 =	simm.s32 $0x9;
	_ =	strace $0x80000048  }
0xb9: {  	_ =	swait.ge [sflag:s29], $0x1  }
0xba: {  	[sflag:s29] =	ssyncadd.s32 $0xFFFFFFFF  }
0xbb: {  	_ =	strace $0x90000048  }
0xbc: {  	_ =	sfence  }
0xbd: {  	s30 =	sld [smem:$0x0];
	_ =	sdelay $0x2  }
0xbe: {  	s31 =	sshll.u32 s1, $0xD;
	s1 =	sshrl.u32 s1, $0x2  }
0xbf: {  	s3 =	sand.u32 $0x4000, s31;
	s1 =	sadd.s32 s1, s30  }
0xc0: {  	s0 =	sor.u32 s3, s0;
	s1 =	sshll.u32 s1, $0x11  }
0xc1: {  	s0 =	sor.u32 s1, s0  }
0xc2: {  	s0 =	sadd.s32 $0x8F2B, s0  }
0xc3: {  	[sflag:s0] =	ssyncadd.remote.s32 $0x1  }
0xc4: {  	_ =	sfence.sel $0xFFFF  }
0xc5: {  	[dreg:$0x0] =	wrdreg $0xFFFFFFFF;
	(pc) =	sbr.abs _section_cstart, $3  }
0xc6: {  	[dreg:$0x1] =	wrdreg $0xFFFFFFFF  }
0xc7: {  	_ =	task.clear_ibuf [dreg:s10], $0x2FFFF;
	_ =	strace $0x9FFFFFFF  }
0xc8: {  	(tm) =	ssettm $0x7FFFFFFF  }
0xc9: {  	_ =	shalt  }
tec
execute0_lowered:
.L_overlay_start_1:
0x0: {  	(tag) =	ssettag $0x1  }
0x1: {  	s5 =	rddreg [dreg:$0x0]  }
0x2: {  	s1 =	rddreg [dreg:$0x1]  }
0x3: {  	s2 =	rddreg [dreg:$0x2]  }
0x4: {  	s6 =	rddreg [dreg:$0x3]  }
0x5: {  	s3 =	rddreg [dreg:$0x4]  }
0x6: {  	s0 =	rddreg [dreg:$0x5];
	s7 =	srdreg.scid  }
0x7: {  	s4 =	simm.s32 $0x0;
	s8 =	stileid.u32;
	s13 =	simm.s32 $0x0  }
0x8: {  	s7 =	sand.u32 $0x1, s7;
	[smem:$0x7FF] =	sst s4;
	s10 =	smul.u32 $0xA00, s8  }
0x9: {  	p0 =	sne.s32 s8, $0x0;
	s8 =	simm.s32 $0x1;
	s12 =	smul.u32 $0x280, s7  }
0xa: {  	s9 =	ssub.s32 $0x2, s7;
	_ =	strace $0x80000047;
	s31 =	smul.u32 $0xFFFFEC78, s7  }
0xb: {  	s11 =	sshrl.u32 s9, $0x1;
	s5 =	sadd.s32 s5, s10;
	s10 =	simm.s32 $0x6400  }
0xc: {  	s9 =	ssub.s32 s9, s11;
	s6 =	sadd.s32 s6, s12;
	s11 =	sshrl.u32 @!p0 s3, $0x3  }
0xd: {  	v1 =	vimm.f32 $1.000000000e+00;
	v0 =	vmov s31;
	s12 =	simm.s32 $0x28;
	s7 =	smax.u32 s9, $0x1;
	s9 =	simm.s32 $0x5000  }
.LBB2_1:
0xe: {  	[tilespmem:s4], [sflag:$0x1] =	stream.linear.gather [hbm4b:s5+s4], $0x5000, $0x38;
	[tilespmem:$0x65C0] =	vst v63  }
0xf: {  	_ =	swait.ge [sflag:s8], $0x5000  }
0x10: {  	[sflag:s8] =	ssyncset.done $0x0  }
0x11: {  	[sflag:s8] =	ssyncadd.s32 $0xFFFFB000  }
0x12: {  	[tilespmem:s9], [sflag:$0x1] =	stream.linear.gather [hbm4b:s1+s4], $0x1400, $0x38;
	[tilespmem:$0x65C0] =	vst v63  }
0x13: {  	_ =	swait.ge [sflag:s8], $0x1400  }
0x14: {  	[sflag:s8] =	ssyncset.done $0x0  }
0x15: {  	[sflag:s8] =	ssyncadd.s32 $0xFFFFEC00  }
0x16: {  	[tilespmem:s10], [sflag:$0x1] =	stream.linear.gather [hbm4b:s2+s4], $0x80, $0x38;
	[tilespmem:$0x65C0] =	vst v63  }
0x17: {  	_ =	swait.ge [sflag:s8], $0x80  }
0x18: {  	[sflag:s8] =	ssyncset.done $0x0  }
0x19: {  	s14 =	simm.s32 @!p0 $0x1C01;
	[sflag:s8] =	ssyncadd.s32 $0xFFFFFF80  }
0x1a: {  	[spmem:s11], [sflag:s14] =	dma.local @!p0 [hbm:s1], $0x280  }
0x1b: {  	s14 =	simm.s32 @!p0 $0x1  }
0x1c: {  	_ =	swait.ge @!p0 [sflag:s14], $0x280  }
0x1d: {  	[sflag:s14] =	ssyncset.done @!p0 $0x0  }
0x1e: {  	[sflag:s14] =	ssyncadd.s32 @!p0 $0xFFFFFD80  }
0x1f: {  	s15 =	simm.s32 $0x0;
	s14 =	simm.s32 $0x40;
	[bflag:$0x0] =	sbarrier.arrive $0xFFFF  }
.LBB2_2:
0x20: {  	p1 =	sne.s32 s14, $0x13FC0;
	v2 =	vld [tilespmem:s15+$0x0];
	_ =	sdelay $0x4  }
0x21: {  	v2 =	vadd.s32 v0, v2  }
0x22: {  	vm0 =	vlt.u32 v2, $0x1388  }
0x23: {  	v2 =	vnsel vm0, $0x13FF, v2  }
.Ltmp0:
0x24: {  	(pc) =	sbr.rel @p1 .LBB2_2-.Ltmp0, $2  }
0x25: {  	_ =	sdelay $0x2  }
0x26: {  	s15 =	sshra.s32 s14, $0x2;
	s14 =	sadd.s32 $0x40, s14;
	[tilespmem:v2+s9+$0x0] =	vst.idx.add.f32.msk $0xffff, v1  }
0x27: {  	v2 =	vld [tilespmem:s15+$0x0];
	_ =	sdelay $0x4  }
0x28: {  	v2 =	vadd.s32 v0, v2  }
0x29: {  	vm0 =	vlt.u32 v2, $0x1388  }
0x2a: {  	v2 =	vnsel vm0, $0x13FF, v2;
	_ =	sdelay $0x4  }
0x2b: {  	[tilespmem:v2+s9+$0x0] =	vst.idx.add.f32.msk $0xffff, v1  }
0x2c: {  	[spmem:s3] =	stream.indirect.scatter.add.f32 [tilespmem:s9], [sflag:$0x1], $0x80, s10, s12, $0xb8;
	[tilespmem:$0x65C0] =	vst v63  }
0x2d: {  	_ =	swait.ge [sflag:s8], $0x1400  }
0x2e: {  	[sflag:s8] =	ssyncset.done $0x0  }
0x2f: {  	[sflag:s8] =	ssyncadd.s32 $0xFFFFEC00  }
0x30: {  	s14 =	simm.s32 @!p0 $0x5000;
	s15 =	simm.s32 @!p0 $0x1;
	[bflag:$0x0] =	sbarrier.arrive $0xFFFF  }
0x31: {  	[tilespmem:s14], [sflag:$0x1] =	stream.linear.gather @!p0 [spmem:s3], $0x1400, $0x38;
	[tilespmem:$0x65C0] =	vst v63  }
0x32: {  	s13 =	sadd.s32 $0x1, s13;
	_ =	swait.ge @!p0 [sflag:s15], $0x1400  }
0x33: {  	p1 =	sne.s32 s13, s7;
	[sflag:s15] =	ssyncset.done @!p0 $0x0  }
.Ltmp1:
0x34: {  	s16 =	simm.s32 @!p0 $0x0;
	[sflag:s15] =	ssyncadd.s32 @!p0 $0xFFFFEC00;
	(pc) =	sbr.rel @p1 .LBB2_1-.Ltmp1, $4  }
0x35: {  	[hbm4b:s6+s16] =	stream.linear.scatter @!p0 [tilespmem:s14], [sflag:$0x1], $0x1400, $0x38;
	[tilespmem:$0x65C0] =	vst v63  }
0x36: {  	_ =	swait.ge @!p0 [sflag:s15], $0x1400  }
0x37: {  	[sflag:s15] =	ssyncset.done @!p0 $0x0  }
0x38: {  	[sflag:s15] =	ssyncadd.s32 @!p0 $0xFFFFEC00  }
0x39: {  	_ =	sfence.sel $0x180000  }
0x3a: {  	[bflag:$0x0] =	sbarrier.arrive $0xFFFF  }
0x3b: {  	_ =	strace $0x90000047  }
0x3c: {  	s0 =	sadd.s32 @!p0 $0x100000, s0;
	[bflag:$0x2] =	sbarrier.arrive $0xFFFF  }
0x3d: {  	[sflag:s0] =	ssyncadd.tile.s32 @!p0 $0x1;
	_ =	shalt  }
.Lfunc_end2:
_tile_overlayer_lowered:
.L_overlay_start_2:
0x3e: {  	(tag) =	ssettag $0x2  }
0x3f: {  	s0 =	rddreg [dreg:$0x0];
	s2 =	stileid.u32  }
0x40: {  	s1 =	rddreg [dreg:$0x1];
	p0 =	sne.s32 s2, $0x0  }
0x41: {  	s3 =	rddreg [dreg:$0x2];
	[bflag:$0x3] =	sbarrier.arrive $0xFFFF;
	s2 =	simm.s32 @!p0 $0x1C01  }
0x42: {  	[timem:s3], [sflag:s2] =	dma.local @!p0 [hbm:s0], s1  }
0x43: {  	s0 =	simm.s32 @!p0 $0x1  }
0x44: {  	_ =	swait.ge @!p0 [sflag:s0], s1  }
0x45: {  	s1 =	ssub.s32 @!p0 $0x0, s1;
	[sflag:s0] =	ssyncset.done @!p0 $0x0  }
0x46: {  	[sflag:s0] =	ssyncadd.s32 @!p0 s1  }
0x47: {  	[bflag:$0x3] =	sbarrier.arrive $0xFFFF  }
0x48: {  	_ =	shalt  }

</sc_bundles>
